<compile_context>
chip_gen: v7x
topology: tpu7x:2x2x1
jax: 0.10.2.dev20260603
libtpu: 0.0.44.dev20260713+nightly
codegen_flags: <defaults>
</compile_context>

<pallas_src>
import functools
import jax
import jax.numpy as jnp
from jax import lax
from jax.experimental import pallas as pl
from jax.experimental.pallas import tpu as pltpu
from jax.experimental.pallas import tpu_sc as plsc

N = 10000
E = 320000
F = 128
NG = 50
CUTOFF = 5.0
_WIDTH = CUTOFF / (NG - 1)
_COEFF = -0.5 / (_WIDTH * _WIDTH)
_LOG2 = 0.6931471805599453

NC, NS = 2, 16
NW = NC * NS
EPW = E // NW
EC = 40
NECH = EPW // EC
NPAD = 10240
ZPW = NPAD // NW
ZC = 64
NZCH = ZPW // ZC
RC = 80
NRCH = N // RC

_mesh = functools.partial(plsc.VectorSubcoreMesh,
                          core_axis_name="c", subcore_axis_name="s")
_SC_PARAMS = pltpu.CompilerParams(needs_layout_passes=False)


def _prep_body(xh, yh, zzh, a0h, a1h, zh, embh, d2h, s0h,
               xc, yc, zc, a0v, a1v, d2v, zidx, erows, sem):
    cid = lax.axis_index("c")
    sid = lax.axis_index("s")
    wid = sid * NC + cid

    pltpu.sync_copy(xh, xc)
    pltpu.sync_copy(yh, yc)
    pltpu.sync_copy(zzh, zc)
    ebase = wid * EPW
    pltpu.sync_copy(a0h.at[pl.ds(ebase, EPW)], a0v)
    pltpu.sync_copy(a1h.at[pl.ds(ebase, EPW)], a1v)

    def dist_step(i, carry):
        i0 = a0v[pl.ds(i * 16, 16)]
        i1 = a1v[pl.ds(i * 16, 16)]
        dx = plsc.load_gather(xc, [i0]) - plsc.load_gather(xc, [i1])
        dy = plsc.load_gather(yc, [i0]) - plsc.load_gather(yc, [i1])
        dz = plsc.load_gather(zc, [i0]) - plsc.load_gather(zc, [i1])
        d2v[pl.ds(i * 16, 16)] = dx * dx + dy * dy + dz * dz
        return carry

    lax.fori_loop(0, EPW // 16, dist_step, 0)
    pltpu.sync_copy(d2v, d2h.at[pl.ds(ebase, EPW)])

    nbase = wid * ZPW

    def emb_step(k, carry):
        off = nbase + k * ZC
        pltpu.sync_copy(zh.at[pl.ds(off, ZC)], zidx)
        pltpu.async_copy(embh.at[zidx], erows, sem).wait()
        pltpu.sync_copy(erows, s0h.at[pl.ds(off, ZC)])
        return carry

    lax.fori_loop(0, NZCH, emb_step, 0)


@jax.jit
def _prep(xcol, ycol, zcol, a0, a1, zp, embed):
    return pl.kernel(
        _prep_body,
        out_type=(jax.ShapeDtypeStruct((E,), jnp.float32),
                  jax.ShapeDtypeStruct((NPAD, F), jnp.float32)),
        mesh=_mesh(),
        scratch_types=[
            pltpu.VMEM((N,), jnp.float32),
            pltpu.VMEM((N,), jnp.float32),
            pltpu.VMEM((N,), jnp.float32),
            pltpu.VMEM((EPW,), jnp.int32),
            pltpu.VMEM((EPW,), jnp.int32),
            pltpu.VMEM((EPW,), jnp.float32),
            pltpu.VMEM((ZC,), jnp.int32),
            pltpu.VMEM((ZC, F), jnp.float32),
            pltpu.SemaphoreType.DMA,
        ],
        compiler_params=_SC_PARAMS,
    )(xcol, ycol, zcol, a0, a1, zp, embed)


def _msg_body(rnh, wh, asch, aggh,
              aggs, asm, rb0, rb1,
              wv0, wv1, semi0, semi1, semg0, semg1, sems0, sems1):
    cid = lax.axis_index("c")
    sid = lax.axis_index("s")
    wid = sid * NC + cid
    rb = (rb0, rb1)
    wv = (wv0, wv1)
    semi = (semi0, semi1)
    semg = (semg0, semg1)
    sems = (sems0, sems1)
    zeros = jnp.zeros((16,), jnp.float32)

    pltpu.sync_copy(asch.at[pl.ds(wid * 2 * EPW, 2 * EPW)], asm)

    def gidx0(g):
        return asm.at[pl.ds(g * 2 * EC + EC, EC)]

    def gidx1(g):
        return asm.at[pl.ds(g * 2 * EC, EC)]

    def sidx(g):
        return asm.at[pl.ds(g * 2 * EC, 2 * EC)]

    def zrow(i, carry):
        for j in range(F // 16):
            rb0[i, pl.ds(j * 16, 16)] = zeros
        return carry

    lax.fori_loop(0, RC, zrow, 0)

    def zchunk(i, carry):
        k = sid + i * NS

        @pl.when(k < NRCH)
        def _():
            pltpu.sync_copy(rb0, aggs.at[pl.ds(k * RC, RC)])

        return carry

    lax.fori_loop(0, (NRCH + NS - 1) // NS, zchunk, 0)
    plsc.subcore_barrier()

    ebase = wid * EPW

    def issue_w(g, b):
        pltpu.async_copy(wh.at[pl.ds(ebase + g * EC, EC)], wv[b], semi[b])

    def wait_w(g, b):
        pltpu.make_async_copy(wh.at[pl.ds(ebase + g * EC, EC)], wv[b],
                              semi[b]).wait()

    def issue_g(g, b):
        pltpu.async_copy(rnh.at[gidx0(g)], rb[b].at[pl.ds(0, EC)], semg[b])
        pltpu.async_copy(rnh.at[gidx1(g)], rb[b].at[pl.ds(EC, EC)], semg[b])

    def wait_g(g, b):
        pltpu.make_async_copy(rnh.at[gidx0(g)], rb[b].at[pl.ds(0, EC)],
                              semg[b]).wait()
        pltpu.make_async_copy(rnh.at[gidx1(g)], rb[b].at[pl.ds(EC, EC)],
                              semg[b]).wait()

    def issue_s(g, b):
        pltpu.async_copy(rb[b], aggs.at[sidx(g)], sems[b], add=True)

    def wait_s(g, b):
        pltpu.make_async_copy(rb[b], aggs.at[sidx(g)], sems[b]).wait()

    def compute(b):
        def mul(i, c2):
            for j in range(F // 16):
                sl = pl.ds(j * 16, 16)
                ww = wv[b][i, sl]
                rb[b][i, sl] = rb[b][i, sl] * ww
                rb[b][EC + i, sl] = rb[b][EC + i, sl] * ww
            return c2

        lax.fori_loop(0, EC, mul, 0)

    issue_w(0, 0)
    issue_g(0, 0)
    issue_w(1, 1)

    def outer(k, carry):
        for b in range(2):
            g = 2 * k + b
            nb = 1 - b
            wait_g(g, b)
            wait_w(g, b)

            @pl.when(jnp.logical_and(g + 1 < NECH, g >= 1))
            def _():
                wait_s(g - 1, nb)

            @pl.when(g + 1 < NECH)
            def _():
                issue_g(g + 1, nb)

            compute(b)
            issue_s(g, b)

            @pl.when(g + 2 < NECH)
            def _():
                issue_w(g + 2, b)

        return carry

    lax.fori_loop(0, NECH // 2, outer, 0)
    wait_s(NECH - 2, 0)
    wait_s(NECH - 1, 1)
    plsc.subcore_barrier()

    def ochunk(i, carry):
        k = sid + i * NS

        @pl.when(k < NRCH)
        def _():
            r = k * RC
            pltpu.sync_copy(aggs.at[pl.ds(r, RC)],
                            aggh.at[pl.ds(cid * N + r, RC)])

        return carry

    lax.fori_loop(0, (NRCH + NS - 1) // NS, ochunk, 0)


@jax.jit
def _msg(rn, w, asc):
    return pl.kernel(
        _msg_body,
        out_type=jax.ShapeDtypeStruct((2 * N, F), jnp.float32),
        mesh=_mesh(),
        scratch_types=[
            pltpu.VMEM_SHARED((N, F), jnp.float32),
            pltpu.VMEM((2 * EPW,), jnp.int32),
            pltpu.VMEM((2 * EC, F), jnp.float32),
            pltpu.VMEM((2 * EC, F), jnp.float32),
            pltpu.VMEM((EC, F), jnp.float32),
            pltpu.VMEM((EC, F), jnp.float32),
            pltpu.SemaphoreType.DMA,
            pltpu.SemaphoreType.DMA,
            pltpu.SemaphoreType.DMA,
            pltpu.SemaphoreType.DMA,
            pltpu.SemaphoreType.DMA,
            pltpu.SemaphoreType.DMA,
        ],
        compiler_params=_SC_PARAMS,
    )(rn, w, asc)


def _ssp(x):
    return jax.nn.softplus(x) - _LOG2


def _edge_filter_body(d2_ref, we1, be1, we2, be2, w_ref):
    e = jnp.sqrt(d2_ref[:])
    eb = e.shape[0]
    offs = lax.broadcasted_iota(jnp.int32, (1, NG), 1).astype(jnp.float32) * _WIDTH
    diff = jnp.broadcast_to(e, (eb, NG)) - offs
    g = jnp.exp(_COEFF * diff * diff)
    h = _ssp(jnp.dot(g, we1[:], preferred_element_type=jnp.float32) + be1[:])
    w_ref[:] = jnp.dot(h, we2[:], preferred_element_type=jnp.float32) + be2[:]


_EB = 2000


@jax.jit
def _edge_filter(d2, we1, be1, we2, be2):
    return pl.pallas_call(
        _edge_filter_body,
        grid=(E // _EB,),
        in_specs=[
            pl.BlockSpec((_EB, 1), lambda i: (i, 0)),
            pl.BlockSpec((NG, NG), lambda i: (0, 0)),
            pl.BlockSpec((1, NG), lambda i: (0, 0)),
            pl.BlockSpec((NG, F), lambda i: (0, 0)),
            pl.BlockSpec((1, F), lambda i: (0, 0)),
        ],
        out_specs=pl.BlockSpec((_EB, F), lambda i: (i, 0)),
        out_shape=jax.ShapeDtypeStruct((E, F), jnp.float32),
        compiler_params=pltpu.CompilerParams(
            dimension_semantics=("arbitrary",)),
    )(d2, we1, be1, we2, be2)


def _rn_body(s_ref, wn, bn, rn_ref):
    rn_ref[:] = jnp.dot(s_ref[:], wn[:],
                        preferred_element_type=jnp.float32) + bn[:]


_NB = 2000


@jax.jit
def _rn(s, wn, bn):
    return pl.pallas_call(
        _rn_body,
        grid=(N // _NB,),
        in_specs=[
            pl.BlockSpec((_NB, F), lambda i: (i, 0)),
            pl.BlockSpec((F, F), lambda i: (0, 0)),
            pl.BlockSpec((1, F), lambda i: (0, 0)),
        ],
        out_specs=pl.BlockSpec((_NB, F), lambda i: (i, 0)),
        out_shape=jax.ShapeDtypeStruct((N, F), jnp.float32),
        compiler_params=pltpu.CompilerParams(
            dimension_semantics=("arbitrary",)),
    )(s, wn, bn)


def _update_body(a0_ref, a1_ref, s_ref, wu1, bu1, wu2, bu2, wn, bn,
                 out_ref, rn_ref):
    agg = a0_ref[:] + a1_ref[:]
    u = _ssp(jnp.dot(agg, wu1[:], preferred_element_type=jnp.float32) + bu1[:])
    u = jnp.dot(u, wu2[:], preferred_element_type=jnp.float32) + bu2[:]
    s = s_ref[:] + u
    out_ref[:] = s
    rn_ref[:] = jnp.dot(s, wn[:], preferred_element_type=jnp.float32) + bn[:]


@jax.jit
def _update(agg0, agg1, s, wu1, bu1, wu2, bu2, wn, bn):
    return pl.pallas_call(
        _update_body,
        grid=(N // _NB,),
        in_specs=[
            pl.BlockSpec((_NB, F), lambda i: (i, 0)),
            pl.BlockSpec((_NB, F), lambda i: (i, 0)),
            pl.BlockSpec((_NB, F), lambda i: (i, 0)),
            pl.BlockSpec((F, F), lambda i: (0, 0)),
            pl.BlockSpec((1, F), lambda i: (0, 0)),
            pl.BlockSpec((F, F), lambda i: (0, 0)),
            pl.BlockSpec((1, F), lambda i: (0, 0)),
            pl.BlockSpec((F, F), lambda i: (0, 0)),
            pl.BlockSpec((1, F), lambda i: (0, 0)),
        ],
        out_specs=[
            pl.BlockSpec((_NB, F), lambda i: (i, 0)),
            pl.BlockSpec((_NB, F), lambda i: (i, 0)),
        ],
        out_shape=[
            jax.ShapeDtypeStruct((N, F), jnp.float32),
            jax.ShapeDtypeStruct((N, F), jnp.float32),
        ],
        compiler_params=pltpu.CompilerParams(
            dimension_semantics=("arbitrary",)),
    )(agg0, agg1, s, wu1, bu1, wu2, bu2, wn, bn)


def kernel(z, xyz, nbr_list, embed, params):
    a0 = nbr_list[:, 0]
    a1 = nbr_list[:, 1]
    asc = jnp.stack((a1.reshape(NW, NECH, EC), a0.reshape(NW, NECH, EC)),
                    axis=2).reshape(-1)
    zp = jnp.pad(z, (0, NPAD - N))
    d2, s0p = _prep(xyz[:, 0], xyz[:, 1], xyz[:, 2], a0, a1, zp, embed)
    s = s0p[:N]
    d2 = d2[:, None]
    ws = [_edge_filter(d2, p['We1'], p['be1'][None, :],
                       p['We2'], p['be2'][None, :]) for p in params]
    rn = _rn(s, params[0]['Wn'], params[0]['bn'][None, :])
    for li, p in enumerate(params):
        agg = _msg(rn, ws[li], asc)
        if li + 1 < len(params):
            pn = params[li + 1]
            s, rn = _update(agg[:N], agg[N:], s,
                            p['Wu1'], p['bu1'][None, :],
                            p['Wu2'], p['bu2'][None, :],
                            pn['Wn'], pn['bn'][None, :])
        else:
            s, _ = _update(agg[:N], agg[N:], s,
                           p['Wu1'], p['bu1'][None, :],
                           p['Wu2'], p['bu2'][None, :],
                           p['Wn'], p['bn'][None, :])
    return s

# --- scband reference (transcript-rebuilt; emitter-appended) ---
"""Pipeline reference for scband-atom-conv-86011015070069 (READ-ONLY COPY).

The authoritative reference and input builder live on the scoring server;
editing this copy changes nothing except your own understanding.
"""

import jax, jax.numpy as jnp
import numpy as np

N_NODES = 10000
N_EDGES = 320000
N_ATOM_BASIS = 128
N_FILTERS = 128
N_GAUSSIANS = 50
N_CONVOLUTIONS = 3
CUTOFF = 5.0


def _ssp(x):
    # shifted softplus: log(0.5*exp(x)+0.5)
    return jax.nn.softplus(x) - jnp.log(2.0)


def _gauss_smear(e):
    # e: [E, 1] distances
    offsets = jnp.linspace(0.0, CUTOFF, N_GAUSSIANS)
    width = offsets[1] - offsets[0]
    coeff = -0.5 / (width ** 2)
    diff = e - offsets[None, :]  # [E, n_gaussians]
    return jnp.exp(coeff * diff ** 2)


def setup_inputs(seed: int = 0) -> dict:
    key = jax.random.key(seed)
    ks = jax.random.split(key, 8)
    z = jax.random.randint(ks[0], (N_NODES,), 0, 100, dtype=jnp.int64 if jax.config.jax_enable_x64 else jnp.int32).astype(jnp.int32)
    xyz = jax.random.normal(ks[1], (N_NODES, 3), dtype=jnp.float32)
    nbr_list = jax.random.randint(ks[2], (N_EDGES, 2), 0, N_NODES).astype(jnp.int32)
    # embedding table (padding_idx=0 -> zero row)
    embed = jax.random.normal(ks[3], (100, N_ATOM_BASIS), dtype=jnp.float32)
    embed = embed.at[0].set(0.0)
    convs = []
    pk = ks[4]
    for i in range(N_CONVOLUTIONS):
        pk, *sub = jax.random.split(pk, 11)
        s = 0.05
        p = {
            'We1': jax.random.normal(sub[0], (N_GAUSSIANS, N_GAUSSIANS)) * s,
            'be1': jnp.zeros((N_GAUSSIANS,)),
            'We2': jax.random.normal(sub[1], (N_GAUSSIANS, N_FILTERS)) * s,
            'be2': jnp.zeros((N_FILTERS,)),
            'Wn': jax.random.normal(sub[2], (N_ATOM_BASIS, N_FILTERS)) * s,
            'bn': jnp.zeros((N_FILTERS,)),
            'Wu1': jax.random.normal(sub[3], (N_FILTERS, N_ATOM_BASIS)) * s,
            'bu1': jnp.zeros((N_ATOM_BASIS,)),
            'Wu2': jax.random.normal(sub[4], (N_ATOM_BASIS, N_ATOM_BASIS)) * s,
            'bu2': jnp.zeros((N_ATOM_BASIS,)),
        }
        convs.append(p)
    return {'z': z, 'xyz': xyz, 'nbr_list': nbr_list, 'embed': embed, 'params': convs}


def _schnet_conv(r, e, a, p):
    # message edge filter: GaussianSmearing -> Dense -> ssp -> Dense
    w = _gauss_smear(e)
    w = w @ p['We1'] + p['be1']
    w = _ssp(w)
    w = w @ p['We2'] + p['be2']           # [E, n_filters]
    # message node filter
    rn = r @ p['Wn'] + p['bn']            # [N, n_filters]
    # messages in both directions, scatter-add aggregate
    msg_ij = rn[a[:, 0]] * w
    msg_ji = rn[a[:, 1]] * w
    agg = jax.ops.segment_sum(msg_ij, a[:, 1], num_segments=r.shape[0])
    agg = agg + jax.ops.segment_sum(msg_ji, a[:, 0], num_segments=r.shape[0])
    # update function: Dense -> ssp -> Dense
    u = agg @ p['Wu1'] + p['bu1']
    u = _ssp(u)
    u = u @ p['Wu2'] + p['bu2']
    return u


def reference(z, xyz, nbr_list, embed, params):
    # pairwise distances along neighbor list
    e = jnp.sqrt(jnp.sum((xyz[nbr_list[:, 0]] - xyz[nbr_list[:, 1]]) ** 2, axis=1))[:, None]
    s_i = jnp.take(embed, z, axis=0)  # [N, n_atom_basis]
    for p in params:
        ds = _schnet_conv(s_i, e, nbr_list, p)
        s_i = s_i + ds
    return s_i


if False:  # reference __main__ guard neutralized (emitter)
    out = reference(**setup_inputs())
    print(out.shape, out.dtype)

if __name__ == "__main__":
    import jax
    _d = setup_inputs()
    print(jax.jit(kernel)(*tuple(_d.values())))

</pallas_src>

<mosaic_0001>
#map = affine_map<(d0, d1) -> (0)>
#map1 = affine_map<(d0, d1) -> (0, 0)>
module attributes {stable_mosaic.version = 14 : i64} {
  func.func @_prep_body(%arg0: i32, %arg1: i32, %arg2: memref<10000xf32, #tpu.memory_space<hbm>>, %arg3: memref<10000xf32, #tpu.memory_space<hbm>>, %arg4: memref<10000xf32, #tpu.memory_space<hbm>>, %arg5: memref<320000xi32, #tpu.memory_space<hbm>>, %arg6: memref<320000xi32, #tpu.memory_space<hbm>>, %arg7: memref<10240xi32, #tpu.memory_space<hbm>>, %arg8: memref<100x128xf32, #tpu.memory_space<hbm>>, %arg9: memref<320000xf32, #tpu.memory_space<hbm>>, %arg10: memref<10240x128xf32, #tpu.memory_space<hbm>>, %arg11: memref<10000xf32, #tpu.memory_space<vmem>>, %arg12: memref<10000xf32, #tpu.memory_space<vmem>>, %arg13: memref<10000xf32, #tpu.memory_space<vmem>>, %arg14: memref<10000xi32, #tpu.memory_space<vmem>>, %arg15: memref<10000xi32, #tpu.memory_space<vmem>>, %arg16: memref<10000xf32, #tpu.memory_space<vmem>>, %arg17: memref<64xi32, #tpu.memory_space<vmem>>, %arg18: memref<64x128xf32, #tpu.memory_space<vmem>>, %arg19: memref<!tpu.dma_semaphore, #tpu.memory_space<semaphore_mem>>) attributes {dimension_semantics = [#tpu.dimension_semantics<core_parallel>, #tpu.dimension_semantics<subcore_parallel>], iteration_bounds = array<i64: 2, 16>, scalar_prefetch = 0 : i64, scratch_operands = 9 : i64, tpu.core_type = #tpu.core_type<sc_vector_subcore>, window_params = [{transform_indices = #map}, {transform_indices = #map}, {transform_indices = #map}, {transform_indices = #map}, {transform_indices = #map}, {transform_indices = #map}, {transform_indices = #map1}, {transform_indices = #map}, {transform_indices = #map1}]} {
    %mul3A = arith.constant 2 : i32
    %mul3A_0 = arith.muli %arg1, %mul3A : i32
    %add3A = arith.addi %mul3A_0, %arg0 : i32
    "tpu.region"() ({
      %run_scoped3A = tpu.sem_alloc : memref<!tpu.dma_semaphore, #tpu.memory_space<semaphore_mem>>
      tpu.enqueue_dma source(%arg2 : memref<10000xf32, #tpu.memory_space<hbm>>) target(%arg11 : memref<10000xf32, #tpu.memory_space<vmem>>) target_semaphore(%run_scoped3A : memref<!tpu.dma_semaphore, #tpu.memory_space<semaphore_mem>>)
      tpu.wait_dma2 semaphore(%run_scoped3A : memref<!tpu.dma_semaphore, #tpu.memory_space<semaphore_mem>>) src(%arg2 : memref<10000xf32, #tpu.memory_space<hbm>>) dst(%arg11 : memref<10000xf32, #tpu.memory_space<vmem>>)
      tpu.yield
    }) : () -> ()
    "tpu.region"() ({
      %run_scoped3A = tpu.sem_alloc : memref<!tpu.dma_semaphore, #tpu.memory_space<semaphore_mem>>
      tpu.enqueue_dma source(%arg3 : memref<10000xf32, #tpu.memory_space<hbm>>) target(%arg12 : memref<10000xf32, #tpu.memory_space<vmem>>) target_semaphore(%run_scoped3A : memref<!tpu.dma_semaphore, #tpu.memory_space<semaphore_mem>>)
      tpu.wait_dma2 semaphore(%run_scoped3A : memref<!tpu.dma_semaphore, #tpu.memory_space<semaphore_mem>>) src(%arg3 : memref<10000xf32, #tpu.memory_space<hbm>>) dst(%arg12 : memref<10000xf32, #tpu.memory_space<vmem>>)
      tpu.yield
    }) : () -> ()
    "tpu.region"() ({
      %run_scoped3A = tpu.sem_alloc : memref<!tpu.dma_semaphore, #tpu.memory_space<semaphore_mem>>
      tpu.enqueue_dma source(%arg4 : memref<10000xf32, #tpu.memory_space<hbm>>) target(%arg13 : memref<10000xf32, #tpu.memory_space<vmem>>) target_semaphore(%run_scoped3A : memref<!tpu.dma_semaphore, #tpu.memory_space<semaphore_mem>>)
      tpu.wait_dma2 semaphore(%run_scoped3A : memref<!tpu.dma_semaphore, #tpu.memory_space<semaphore_mem>>) src(%arg4 : memref<10000xf32, #tpu.memory_space<hbm>>) dst(%arg13 : memref<10000xf32, #tpu.memory_space<vmem>>)
      tpu.yield
    }) : () -> ()
    %mul3A_1 = arith.constant 10000 : i32
    %mul3A_2 = arith.muli %add3A, %mul3A_1 : i32
    "tpu.region"() ({
      %run_scoped3A = tpu.sem_alloc : memref<!tpu.dma_semaphore, #tpu.memory_space<semaphore_mem>>
      %dma_start3A = tpu.memref_slice %arg5[%mul3A_2] : memref<320000xi32, #tpu.memory_space<hbm>> -> memref<10000xi32, #tpu.memory_space<hbm>>
      %dma_start3A_16 = tpu.memref_slice %arg5[%mul3A_2] : memref<320000xi32, #tpu.memory_space<hbm>> -> memref<10000xi32, #tpu.memory_space<hbm>>
      tpu.enqueue_dma source(%dma_start3A_16 : memref<10000xi32, #tpu.memory_space<hbm>>) target(%arg14 : memref<10000xi32, #tpu.memory_space<vmem>>) target_semaphore(%run_scoped3A : memref<!tpu.dma_semaphore, #tpu.memory_space<semaphore_mem>>)
      %dma_wait3A = tpu.memref_slice %arg5[%mul3A_2] : memref<320000xi32, #tpu.memory_space<hbm>> -> memref<10000xi32, #tpu.memory_space<hbm>>
      %dma_wait3A_17 = tpu.memref_slice %arg5[%mul3A_2] : memref<320000xi32, #tpu.memory_space<hbm>> -> memref<10000xi32, #tpu.memory_space<hbm>>
      tpu.wait_dma2 semaphore(%run_scoped3A : memref<!tpu.dma_semaphore, #tpu.memory_space<semaphore_mem>>) src(%dma_wait3A_17 : memref<10000xi32, #tpu.memory_space<hbm>>) dst(%arg14 : memref<10000xi32, #tpu.memory_space<vmem>>)
      tpu.yield
    }) : () -> ()
    "tpu.region"() ({
      %run_scoped3A = tpu.sem_alloc : memref<!tpu.dma_semaphore, #tpu.memory_space<semaphore_mem>>
      %dma_start3A = tpu.memref_slice %arg6[%mul3A_2] : memref<320000xi32, #tpu.memory_space<hbm>> -> memref<10000xi32, #tpu.memory_space<hbm>>
      %dma_start3A_16 = tpu.memref_slice %arg6[%mul3A_2] : memref<320000xi32, #tpu.memory_space<hbm>> -> memref<10000xi32, #tpu.memory_space<hbm>>
      tpu.enqueue_dma source(%dma_start3A_16 : memref<10000xi32, #tpu.memory_space<hbm>>) target(%arg15 : memref<10000xi32, #tpu.memory_space<vmem>>) target_semaphore(%run_scoped3A : memref<!tpu.dma_semaphore, #tpu.memory_space<semaphore_mem>>)
      %dma_wait3A = tpu.memref_slice %arg6[%mul3A_2] : memref<320000xi32, #tpu.memory_space<hbm>> -> memref<10000xi32, #tpu.memory_space<hbm>>
      %dma_wait3A_17 = tpu.memref_slice %arg6[%mul3A_2] : memref<320000xi32, #tpu.memory_space<hbm>> -> memref<10000xi32, #tpu.memory_space<hbm>>
      tpu.wait_dma2 semaphore(%run_scoped3A : memref<!tpu.dma_semaphore, #tpu.memory_space<semaphore_mem>>) src(%dma_wait3A_17 : memref<10000xi32, #tpu.memory_space<hbm>>) dst(%arg15 : memref<10000xi32, #tpu.memory_space<vmem>>)
      tpu.yield
    }) : () -> ()
    %scan3A = arith.constant 0 : i32
    %scan3A_3 = arith.constant 0 : i32
    %scan3A_4 = arith.constant 625 : i32
    %scan3A_5 = arith.addi %scan3A_3, %scan3A_4 : i32
    %scan3A_6 = arith.constant 1 : i32
    scf.for %scan3A_16 = %scan3A_3 to %scan3A_5 step %scan3A_6  : i32 {
      %mul3A_17 = arith.constant 16 : i32
      %mul3A_18 = arith.muli %scan3A_16, %mul3A_17 : i32
      %get3A = arith.index_cast %mul3A_18 : i32 to index
      %get3A_19 = tpu.vector_load %arg14[%get3A] {strides = array<i32>} : memref<10000xi32, #tpu.memory_space<vmem>>, vector<16xi32>,
      %mul3A_20 = arith.constant 16 : i32
      %mul3A_21 = arith.muli %scan3A_16, %mul3A_20 : i32
      %get3A_22 = arith.index_cast %mul3A_21 : i32 to index
      %get3A_23 = tpu.vector_load %arg15[%get3A_22] {strides = array<i32>} : memref<10000xi32, #tpu.memory_space<vmem>>, vector<16xi32>,
      %gather3A = tpu.vector_load_idx %arg11[%get3A_19] : memref<10000xf32, #tpu.memory_space<vmem>>[vector<16xi32>], vector<16xf32>,
      %gather3A_24 = tpu.vector_load_idx %arg11[%get3A_23] : memref<10000xf32, #tpu.memory_space<vmem>>[vector<16xi32>], vector<16xf32>,
      %sub3A = arith.subf %gather3A, %gather3A_24 : vector<16xf32>
      %gather3A_25 = tpu.vector_load_idx %arg12[%get3A_19] : memref<10000xf32, #tpu.memory_space<vmem>>[vector<16xi32>], vector<16xf32>,
      %gather3A_26 = tpu.vector_load_idx %arg12[%get3A_23] : memref<10000xf32, #tpu.memory_space<vmem>>[vector<16xi32>], vector<16xf32>,
      %sub3A_27 = arith.subf %gather3A_25, %gather3A_26 : vector<16xf32>
      %gather3A_28 = tpu.vector_load_idx %arg13[%get3A_19] : memref<10000xf32, #tpu.memory_space<vmem>>[vector<16xi32>], vector<16xf32>,
      %gather3A_29 = tpu.vector_load_idx %arg13[%get3A_23] : memref<10000xf32, #tpu.memory_space<vmem>>[vector<16xi32>], vector<16xf32>,
      %sub3A_30 = arith.subf %gather3A_28, %gather3A_29 : vector<16xf32>
      %mul3A_31 = arith.mulf %sub3A, %sub3A : vector<16xf32>
      %mul3A_32 = arith.mulf %sub3A_27, %sub3A_27 : vector<16xf32>
      %add3A_33 = arith.addf %mul3A_31, %mul3A_32 : vector<16xf32>
      %mul3A_34 = arith.mulf %sub3A_30, %sub3A_30 : vector<16xf32>
      %add3A_35 = arith.addf %add3A_33, %mul3A_34 : vector<16xf32>
      %mul3A_36 = arith.constant 16 : i32
      %mul3A_37 = arith.muli %scan3A_16, %mul3A_36 : i32
      %swap3A = arith.index_cast %mul3A_37 : i32 to index
      %swap3A_38 = tpu.vector_load %arg16[%swap3A] {strides = array<i32>} : memref<10000xf32, #tpu.memory_space<vmem>>, vector<16xf32>,
      tpu.vector_store %arg16[%swap3A], %add3A_35 {strides = array<i32>} : memref<10000xf32, #tpu.memory_space<vmem>>, vector<16xf32>,
    }
    %scan3A_7 = arith.constant 625 : i32
    "tpu.region"() ({
      %run_scoped3A = tpu.sem_alloc : memref<!tpu.dma_semaphore, #tpu.memory_space<semaphore_mem>>
      %dma_start3A = tpu.memref_slice %arg9[%mul3A_2] : memref<320000xf32, #tpu.memory_space<hbm>> -> memref<10000xf32, #tpu.memory_space<hbm>>
      %dma_start3A_16 = tpu.memref_slice %arg9[%mul3A_2] : memref<320000xf32, #tpu.memory_space<hbm>> -> memref<10000xf32, #tpu.memory_space<hbm>>
      tpu.enqueue_dma source(%arg16 : memref<10000xf32, #tpu.memory_space<vmem>>) target(%dma_start3A_16 : memref<10000xf32, #tpu.memory_space<hbm>>) target_semaphore(%run_scoped3A : memref<!tpu.dma_semaphore, #tpu.memory_space<semaphore_mem>>)
      %dma_wait3A = tpu.memref_slice %arg9[%mul3A_2] : memref<320000xf32, #tpu.memory_space<hbm>> -> memref<10000xf32, #tpu.memory_space<hbm>>
      %dma_wait3A_17 = tpu.memref_slice %arg9[%mul3A_2] : memref<320000xf32, #tpu.memory_space<hbm>> -> memref<10000xf32, #tpu.memory_space<hbm>>
      tpu.wait_dma2 semaphore(%run_scoped3A : memref<!tpu.dma_semaphore, #tpu.memory_space<semaphore_mem>>) src(%arg16 : memref<10000xf32, #tpu.memory_space<vmem>>) dst(%dma_wait3A_17 : memref<10000xf32, #tpu.memory_space<hbm>>)
      tpu.yield
    }) : () -> ()
    %mul3A_8 = arith.constant 320 : i32
    %mul3A_9 = arith.muli %add3A, %mul3A_8 : i32
    %scan3A_10 = arith.constant 0 : i32
    %scan3A_11 = arith.constant 0 : i32
    %scan3A_12 = arith.constant 5 : i32
    %scan3A_13 = arith.addi %scan3A_11, %scan3A_12 : i32
    %scan3A_14 = arith.constant 1 : i32
    scf.for %scan3A_16 = %scan3A_11 to %scan3A_13 step %scan3A_14  : i32 {
      %mul3A_17 = arith.constant 64 : i32
      %mul3A_18 = arith.muli %scan3A_16, %mul3A_17 : i32
      %add3A_19 = arith.addi %mul3A_9, %mul3A_18 : i32
      "tpu.region"() ({
        %run_scoped3A = tpu.sem_alloc : memref<!tpu.dma_semaphore, #tpu.memory_space<semaphore_mem>>
        %dma_start3A_24 = tpu.memref_slice %arg7[%add3A_19] : memref<10240xi32, #tpu.memory_space<hbm>> -> memref<64xi32, #tpu.memory_space<hbm>>
        %dma_start3A_25 = tpu.memref_slice %arg7[%add3A_19] : memref<10240xi32, #tpu.memory_space<hbm>> -> memref<64xi32, #tpu.memory_space<hbm>>
        tpu.enqueue_dma source(%dma_start3A_25 : memref<64xi32, #tpu.memory_space<hbm>>) target(%arg17 : memref<64xi32, #tpu.memory_space<vmem>>) target_semaphore(%run_scoped3A : memref<!tpu.dma_semaphore, #tpu.memory_space<semaphore_mem>>)
        %dma_wait3A_26 = tpu.memref_slice %arg7[%add3A_19] : memref<10240xi32, #tpu.memory_space<hbm>> -> memref<64xi32, #tpu.memory_space<hbm>>
        %dma_wait3A_27 = tpu.memref_slice %arg7[%add3A_19] : memref<10240xi32, #tpu.memory_space<hbm>> -> memref<64xi32, #tpu.memory_space<hbm>>
        tpu.wait_dma2 semaphore(%run_scoped3A : memref<!tpu.dma_semaphore, #tpu.memory_space<semaphore_mem>>) src(%dma_wait3A_27 : memref<64xi32, #tpu.memory_space<hbm>>) dst(%arg17 : memref<64xi32, #tpu.memory_space<vmem>>)
        tpu.yield
      }) : () -> ()
      %dma_start3A = arith.constant 0 : i32
      %dma_start3A_20 = arith.constant 0 : i32
      %dma_start3A_21 = tpu.memref_slice %arg8[%dma_start3A, %dma_start3A_20] : memref<100x128xf32, #tpu.memory_space<hbm>> -> memref<100x128xf32, #tpu.memory_space<hbm>>
      tpu.enqueue_indirect_dma source(%dma_start3A_21 : memref<100x128xf32, #tpu.memory_space<hbm>>) target(%arg18 : memref<64x128xf32, #tpu.memory_space<vmem>>) offsets(%arg17 : memref<64xi32, #tpu.memory_space<vmem>>) semaphore(%arg19 : memref<!tpu.dma_semaphore, #tpu.memory_space<semaphore_mem>>)
      %dma_wait3A = arith.constant 0 : i32
      %dma_wait3A_22 = arith.constant 0 : i32
      %dma_wait3A_23 = tpu.memref_slice %arg8[%dma_wait3A, %dma_wait3A_22] : memref<100x128xf32, #tpu.memory_space<hbm>> -> memref<100x128xf32, #tpu.memory_space<hbm>>
      tpu.wait_indirect_dma semaphore(%arg19 : memref<!tpu.dma_semaphore, #tpu.memory_space<semaphore_mem>>) src(%dma_wait3A_23 : memref<100x128xf32, #tpu.memory_space<hbm>>) dst(%arg18 : memref<64x128xf32, #tpu.memory_space<vmem>>)
      "tpu.region"() ({
        %run_scoped3A = tpu.sem_alloc : memref<!tpu.dma_semaphore, #tpu.memory_space<semaphore_mem>>
        %dma_start3A_24 = arith.constant 0 : i32
        %dma_start3A_25 = tpu.memref_slice %arg10[%add3A_19, %dma_start3A_24] : memref<10240x128xf32, #tpu.memory_space<hbm>> -> memref<64x128xf32, #tpu.memory_space<hbm>>
        %dma_start3A_26 = arith.constant 0 : i32
        %dma_start3A_27 = tpu.memref_slice %arg10[%add3A_19, %dma_start3A_26] : memref<10240x128xf32, #tpu.memory_space<hbm>> -> memref<64x128xf32, #tpu.memory_space<hbm>>
        tpu.enqueue_dma source(%arg18 : memref<64x128xf32, #tpu.memory_space<vmem>>) target(%dma_start3A_27 : memref<64x128xf32, #tpu.memory_space<hbm>>) target_semaphore(%run_scoped3A : memref<!tpu.dma_semaphore, #tpu.memory_space<semaphore_mem>>)
        %dma_wait3A_28 = arith.constant 0 : i32
        %dma_wait3A_29 = tpu.memref_slice %arg10[%add3A_19, %dma_wait3A_28] : memref<10240x128xf32, #tpu.memory_space<hbm>> -> memref<64x128xf32, #tpu.memory_space<hbm>>
        %dma_wait3A_30 = arith.constant 0 : i32
        %dma_wait3A_31 = tpu.memref_slice %arg10[%add3A_19, %dma_wait3A_30] : memref<10240x128xf32, #tpu.memory_space<hbm>> -> memref<64x128xf32, #tpu.memory_space<hbm>>
        tpu.wait_dma2 semaphore(%run_scoped3A : memref<!tpu.dma_semaphore, #tpu.memory_space<semaphore_mem>>) src(%arg18 : memref<64x128xf32, #tpu.memory_space<vmem>>) dst(%dma_wait3A_31 : memref<64x128xf32, #tpu.memory_space<hbm>>)
        tpu.yield
      }) : () -> ()
    }
    %scan3A_15 = arith.constant 5 : i32
    return
  }
}

</mosaic_0001>

<sc_bundles>
// kernel: _prep.3.cloned.1.call-start
scs
__scs_entry_jumppad:
0x0: {  	(pc) =	sbr.rel $0x88, $3  }
0x1: {  	(tag) =	ssettag $0x0;
	lr =	simm.s32 $0x1  }
0x2: {  	[smem:$0x3F9A] =	sst lr;
	_ =	strace $0xD0000000  }
0x3: {  	_ = 	snop  }
0x4: {  	_ = 	snop  }
0x5: {  	_ = 	snop  }
0x6: {  	_ = 	snop  }
0x7: {  	_ = 	snop  }
__scs_overlays_trampoline_lowered:
0x8: {  	[smem:$0x3FA9] =	sst s0  }
0x9: {  	[smem:$0x3FAA] =	sst s1  }
0xa: {  	[smem:$0x3FAB] =	sst s2  }
0xb: {  	[smem:$0x3FAC] =	sst s3  }
0xc: {  	[smem:$0x3FAD] =	sst s4  }
0xd: {  	[smem:$0x3FAE] =	sst s5  }
0xe: {  	[smem:$0x3FAF] =	sst s6  }
0xf: {  	[smem:$0x3FB0] =	sst s7  }
0x10: {  	[smem:$0x3FB1] =	sst s8  }
0x11: {  	[smem:$0x3FB2] =	sst s9;
	s0 =	simm.s32 @!p0 $0x0  }
0x12: {  	s1 =	sld [smem:$0x3F98];
	s0 =	simm.s32 @p0 $0x1  }
0x13: {  	[smem:$0x3FB3] =	sst s0;
	s0 =	simm.s32 @!p1 $0x0  }
0x14: {  	s2 =	sld [smem:$0x3F97];
	s0 =	simm.s32 @p1 $0x1  }
0x15: {  	[smem:$0x3FB4] =	sst s0;
	s0 =	simm.s32 @!p2 $0x0  }
0x16: {  	s3 =	sld [smem:$0x3FDB];
	s0 =	simm.s32 @p2 $0x1  }
0x17: {  	s4 =	simm.s32 $0x1BF5;
	[smem:$0x3FB6] =	sst s0  }
0x18: {  	s0 =	sld [smem:$0x3F99];
	_ =	swait.ge [sflag:s4], $0x0  }
0x19: {  	s7 =	sld [smem:$0x3F9A]  }
0x1a: {  	s8 =	sadd.s32 $0xFFFFE003, lr  }
0x1b: {  	s9 =	sadd.s32 $0xFFFFFEF7, lr;
	s5 =	simm.s32 $0xFFFFFFFF;
	p2 =	slt.u32 s8, $0xFFFFF086  }
0x1c: {  	p1 =	slt.u32 s9, $0xF7A;
	s5 =	simm.s32 @!p2 $0x0  }
0x1d: {  	s5 =	simm.s32 @p1 $0x1;
	p0 =	seq.s32 s7, s2  }
0x1e: {  	s7 =	smul.u32 @!p0 $0xF7A, s2;
	p2 =	seq.s32 @!p0 s5, $0x0  }
0x1f: {  	s9 =	smul.u32 $0xF7A, s1;
	s8 =	simm.s32 @!p0 $0x1BF5;
	p2 =	por !p2, p0  }
0x20: {  	[sflag:s8] =	ssyncset.s32 @!p0 $0xFFFFF086;
	s6 =	sadd.s32 @!p0 s3, s7;
	s7 =	simm.s32 @!p0 $0x108  }
0x21: {  	s3 =	sadd.s32 s3, s9;
	s6 =	sadd.s32 @!p0 $0x88, s6;
	s7 =	simm.s32 @p2 $0x1082  }
0x22: {  	[simem:s7], [sflag:s8] =	dma.local @!p0 [hbm:s6], $0xF7A  }
0x23: {  	s9 =	sor.u32 $0xD0000000, s2;
	s6 =	simm.s32 $0x108;
	_ =	swait.ge @!p0 [sflag:s8], $0x0  }
0x24: {  	s3 =	sadd.s32 $0x88, s3;
	s6 =	simm.s32 @!p1 $0x1082;
	[sflag:s4] =	ssyncset.s32 $0xFFFFF086  }
0x25: {  	[simem:s6], [sflag:s4] =	dma.local [hbm:s3], $0xF7A  }
0x26: {  	[smem:$0x3F9A] =	sst s1;
	(tag) =	ssettag s2;
	_ =	strace s9  }
0x27: {  	s1 =	sld [smem:$0x3FAA]  }
0x28: {  	s2 =	sld [smem:$0x3FAB]  }
0x29: {  	s4 =	sld [smem:$0x3FAD]  }
0x2a: {  	p0 =	seq.s32 s5, $0x0;
	s5 =	sld [smem:$0x3FAE]  }
0x2b: {  	s6 =	sld [smem:$0x3FAF]  }
0x2c: {  	s7 =	sld [smem:$0x3FB0]  }
0x2d: {  	s3 =	simm.s32 $0x108;
	s8 =	sld [smem:$0x3FB1]  }
0x2e: {  	s3 =	simm.s32 @!p0 $0x1082;
	s9 =	sld [smem:$0x3FB2]  }
0x2f: {  	lr =	sadd.s32 s0, s3;
	s0 =	sld [smem:$0x3FA9]  }
0x30: {  	s3 =	sld [smem:$0x3FAC]  }
0x31: {  	[smem:$0x3FB5] =	sst s10  }
0x32: {  	s10 =	sld [smem:$0x3FB3];
	_ =	sdelay $0x3  }
0x33: {  	p0 =	seq.s32 s10, $0x1;
	s10 =	sld [smem:$0x3FB5];
	_ =	sdelay $0x3  }
0x34: {  	[smem:$0x3FB5] =	sst s10  }
0x35: {  	s10 =	sld [smem:$0x3FB4];
	_ =	sdelay $0x3  }
0x36: {  	p1 =	seq.s32 s10, $0x1;
	s10 =	sld [smem:$0x3FB5];
	_ =	sdelay $0x3  }
0x37: {  	[smem:$0x3FB5] =	sst s10  }
0x38: {  	s10 =	sld [smem:$0x3FB6]  }
0x39: {  	_ = 	snop;
	(pc) =	sbr.ind lr, $3  }
0x3a: {  	_ = 	snop  }
0x3b: {  	_ = 	snop  }
0x3c: {  	p2 =	seq.s32 s10, $0x1;
	s10 =	sld [smem:$0x3FB5]  }
0x3d: {  	_ =	shalt  }
0x3e: {  	_ =	shalt  }
0x3f: {  	_ =	shalt  }
0x40: {  	_ =	shalt  }
0x41: {  	_ =	shalt  }
0x42: {  	_ =	shalt  }
0x43: {  	_ =	shalt  }
0x44: {  	_ =	shalt  }
0x45: {  	_ =	shalt  }
0x46: {  	_ =	shalt  }
0x47: {  	_ =	shalt  }
0x48: {  	_ =	shalt  }
0x49: {  	_ =	shalt  }
0x4a: {  	_ =	shalt  }
0x4b: {  	_ =	shalt  }
0x4c: {  	_ =	shalt  }
0x4d: {  	_ =	shalt  }
0x4e: {  	_ =	shalt  }
0x4f: {  	_ =	shalt  }
0x50: {  	_ =	shalt  }
0x51: {  	_ =	shalt  }
0x52: {  	_ =	shalt  }
0x53: {  	_ =	shalt  }
0x54: {  	_ =	shalt  }
0x55: {  	_ =	shalt  }
0x56: {  	_ =	shalt  }
0x57: {  	_ =	shalt  }
0x58: {  	_ =	shalt  }
0x59: {  	_ =	shalt  }
0x5a: {  	_ =	shalt  }
0x5b: {  	_ =	shalt  }
0x5c: {  	_ =	shalt  }
0x5d: {  	_ =	shalt  }
0x5e: {  	_ =	shalt  }
0x5f: {  	_ =	shalt  }
0x60: {  	_ =	shalt  }
0x61: {  	_ =	shalt  }
0x62: {  	_ =	shalt  }
0x63: {  	_ =	shalt  }
0x64: {  	_ =	shalt  }
0x65: {  	_ =	shalt  }
0x66: {  	_ =	shalt  }
0x67: {  	_ =	shalt  }
0x68: {  	_ =	shalt  }
0x69: {  	_ =	shalt  }
0x6a: {  	_ =	shalt  }
0x6b: {  	_ =	shalt  }
0x6c: {  	_ =	shalt  }
0x6d: {  	_ =	shalt  }
0x6e: {  	_ =	shalt  }
0x6f: {  	_ =	shalt  }
0x70: {  	_ =	shalt  }
0x71: {  	_ =	shalt  }
0x72: {  	_ =	shalt  }
0x73: {  	_ =	shalt  }
0x74: {  	_ =	shalt  }
0x75: {  	_ =	shalt  }
0x76: {  	_ =	shalt  }
0x77: {  	_ =	shalt  }
0x78: {  	_ =	shalt  }
0x79: {  	_ =	shalt  }
0x7a: {  	_ =	shalt  }
0x7b: {  	_ =	shalt  }
0x7c: {  	_ =	shalt  }
0x7d: {  	_ =	shalt  }
0x7e: {  	_ =	shalt  }
0x7f: {  	_ =	shalt  }
0x80: {  	_ =	shalt  }
0x81: {  	_ =	shalt  }
0x82: {  	_ =	shalt  }
0x83: {  	_ =	shalt  }
0x84: {  	_ =	shalt  }
0x85: {  	_ =	shalt  }
0x86: {  	_ =	shalt  }
0x87: {  	_ =	shalt  }
.Lfunc_end0:
.L_simem_size_0:
called_computation_lowered:
.L_overlay_start_0:
0x88: {  	s2 =	sld [smem:$0x3FD9]  }
0x89: {  	s3 =	sld [smem:$0x3FFE];
	_ =	sdelay $0x1  }
0x8a: {  	s1 =	srdreg.scid  }
0x8b: {  	s0 =	sand.u32 $0x1, s1  }
0x8c: {  	s15 =	sshll.u32 s0, $0xA;
	s2 =	sadd.s32 s3, s2  }
0x8d: {  	s2 =	sadd.s32 s2, s15  }
0x8e: {  	[smem:$0x3FC1] =	sst s2  }
0x8f: {  	_ = 	snop  }
0x90: {  	s2 =	sld [smem:$0x3FC9]  }
0x91: {  	s16 =	sld [smem:$0x3FC8]  }
0x92: {  	s4 =	sld [smem:$0x3FC7]  }
0x93: {  	s5 =	sld [smem:$0x3FC6]  }
0x94: {  	s6 =	sld [smem:$0x3FD0]  }
0x95: {  	s7 =	sld [smem:$0x3FC5]  }
0x96: {  	s8 =	sld [smem:$0x3FC4]  }
0x97: {  	s10 =	simm.s32 $0xA;
	s11 =	simm.s32 $0x10;
	s9 =	sld [smem:$0x3FC3]  }
0x98: {  	[smem:s11], [sflag:s10] =	dma.local [hbm:s6], $0x1  }
0x99: {  	_ =	swait.eq [sflag:s10], $0x1  }
0x9a: {  	[sflag:s10] =	ssyncset.done $0x0  }
0x9b: {  	s17 =	sld [smem:$0x10];
	[sflag:s10] =	ssyncadd.s32 $0xFFFFFFFF  }
0x9c: {  	s18 =	sld [smem:$0x11];
	(tm) =	ssettm $0x1  }
0x9d: {  	s19 =	sld [smem:$0x3FFB];
	_ =	sdelay $0x3  }
0x9e: {  	_ =	strace s19  }
0x9f: {  	s11 =	sld [smem:$0x3FFC];
	_ =	sdelay $0x3  }
0xa0: {  	_ =	strace s11  }
0xa1: {  	s11 =	sld [smem:$0x3FFD];
	_ =	sdelay $0x3  }
0xa2: {  	_ =	strace s11  }
0xa3: {  	_ =	strace $0x8FFFFFFF  }
0xa4: {  	s20 =	sld [smem:$0x3FDB];
	_ =	sdelay $0x1  }
0xa5: {  	s12 =	simm.s32 $_scs_section_size  }
0xa6: {  	s13 =	simm.s32 $_size__tile_overlayer_lowered;
	s14 =	simm.s32 $_tile_overlayer_lowered  }
0xa7: {  	s23 =	simm.s32 $0x1BFF;
	s22 =	sshll.u32 s14, $0x1;
	s11 =	sadd.s32 s12, s20  }
0xa8: {  	s21 =	sshll.u32 s13, $0x1;
	s15 =	simm.s32 $0x0;
	s13 =	sadd.s32 s22, s11  }
0xa9: {  	[timem:s15], [sflag:s23] =	dma.local [hbm:s13], s21  }
0xaa: {  	_ =	swait.ge [sflag:s23], s21  }
0xab: {  	s12 =	ssub.s32 $0x0, s21;
	[sflag:s23] =	ssyncset.done $0x0  }
0xac: {  	[sflag:s23] =	ssyncadd.s32 s12;
	_ =	sdelay $0x1  }
0xad: {  	s24 =	simm.s32 $0x1B8B  }
0xae: {  	_ =	swait.ge [sflag:s24], $0x1  }
0xaf: {  	[sflag:s24] =	ssyncset.done $0x0  }
0xb0: {  	s25 =	simm.s32 $0x1B8E;
	[sflag:s24] =	ssyncadd.s32 $0xFFFFFFFF  }
0xb1: {  	s26 =	simm.s32 $execute0_lowered;
	[smem:$0x3FD2] =	sst s25  }
0xb2: {  	s12 =	sshll.u32 s26, $0x1;
	_ =	strace $0x80000046;
	[dreg:$0x1] =	wrdreg $0xFFFFFFFF  }
0xb3: {  	s28 =	simm.s32 $_size_execute0_lowered;
	s11 =	sadd.s32 s11, s12;
	[dreg:$0x0] =	wrdreg $0x0  }
0xb4: {  	s12 =	sshll.u32 s28, $0x1;
	[dreg:$0x2] =	wrdreg s11  }
0xb5: {  	[dreg:$0x3] =	wrdreg s12  }
0xb6: {  	[dreg:$0x4] =	wrdreg $0xC0  }
0xb7: {  	_ =	task [dreg:s15], $0x5FFFF  }
0xb8: {  	[dreg:$0x1] =	wrdreg $0xFFFFFFFF  }
0xb9: {  	[dreg:$0x0] =	wrdreg $0x60  }
0xba: {  	[dreg:$0x2] =	wrdreg s2  }
0xbb: {  	[dreg:$0x3] =	wrdreg s16  }
0xbc: {  	[dreg:$0x4] =	wrdreg s4  }
0xbd: {  	[dreg:$0x5] =	wrdreg s5  }
0xbe: {  	[dreg:$0x6] =	wrdreg s7  }
0xbf: {  	[dreg:$0x7] =	wrdreg s8  }
0xc0: {  	[dreg:$0x8] =	wrdreg s9  }
0xc1: {  	[dreg:$0x9] =	wrdreg s17  }
0xc2: {  	[dreg:$0xa] =	wrdreg s18  }
0xc3: {  	[dreg:$0xb] =	wrdreg $0x9  }
0xc4: {  	_ =	task.clear_ibuf [dreg:s15], $0xCFFFF;
	_ =	strace $0x90000046  }
0xc5: {  	s29 =	simm.s32 $0x9;
	_ =	strace $0x80000048  }
0xc6: {  	_ =	swait.ge [sflag:s29], $0x1  }
0xc7: {  	[sflag:s29] =	ssyncadd.s32 $0xFFFFFFFF  }
0xc8: {  	_ =	strace $0x90000048  }
0xc9: {  	_ =	sfence  }
0xca: {  	s30 =	sld [smem:$0x0];
	_ =	sdelay $0x2  }
0xcb: {  	s31 =	sshll.u32 s1, $0xD;
	s1 =	sshrl.u32 s1, $0x2  }
0xcc: {  	s3 =	sand.u32 $0x4000, s31;
	s1 =	sadd.s32 s1, s30  }
0xcd: {  	s0 =	sor.u32 s3, s0;
	s1 =	sshll.u32 s1, $0x11  }
0xce: {  	s0 =	sor.u32 s1, s0  }
0xcf: {  	s0 =	sadd.s32 $0x8F2B, s0  }
0xd0: {  	[sflag:s0] =	ssyncadd.remote.s32 $0x1  }
0xd1: {  	_ =	sfence.sel $0xFFFF  }
0xd2: {  	[dreg:$0x0] =	wrdreg $0xFFFFFFFF;
	(pc) =	sbr.abs _section_cstart, $3  }
0xd3: {  	[dreg:$0x1] =	wrdreg $0xFFFFFFFF  }
0xd4: {  	_ =	task.clear_ibuf [dreg:s15], $0x2FFFF;
	_ =	strace $0x9FFFFFFF  }
0xd5: {  	(tm) =	ssettm $0x7FFFFFFF  }
tec
execute0_lowered:
.L_overlay_start_1:
0x0: {  	(tag) =	ssettag $0x1  }
0x1: {  	s2 =	rddreg [dreg:$0x2]  }
0x2: {  	s0 =	rddreg [dreg:$0x3]  }
0x3: {  	s1 =	rddreg [dreg:$0x4]  }
0x4: {  	s3 =	rddreg [dreg:$0x5]  }
0x5: {  	s4 =	rddreg [dreg:$0x6]  }
0x6: {  	s5 =	rddreg [dreg:$0x7]  }
0x7: {  	s6 =	srdreg.scid;
	s8 =	stileid.u32  }
0x8: {  	s20 =	rddreg [dreg:$0x8];
	s28 =	simm.s32 $0xED00;
	s29 =	simm.s32 $0x40  }
0x9: {  	s30 =	simm.s32 $0xED80;
	s7 =	sand.u32 $0x1, s6;
	s12 =	sshll.u32 s8, $0x1  }
0xa: {  	s31 =	simm.s32 $0x1;
	s6 =	simm.s32 $0x0;
	s8 =	sor.u32 s7, s12  }
0xb: {  	s7 =	ssub.s32 $0x2, s7;
	[smem:$0x7FF] =	sst s6;
	s9 =	smul.u32 $0x4E2, s8  }
0xc: {  	s10 =	sshrl.u32 s7, $0x1;
	s17 =	smul.u32 $0x140, s8;
	_ =	strace $0x80000047  }
0xd: {  	s12 =	smul.u32 $0x1400, s8;
	s11 =	ssub.s32 s7, s10;
	s7 =	sadd.s32 s0, s9  }
0xe: {  	s13 =	sshrl.u32 s17, $0x3;
	s8 =	sadd.s32 s1, s9;
	s9 =	sadd.s32 s5, s9  }
0xf: {  	s11 =	smax.u32 s11, $0x1;
	s12 =	sadd.s32 s20, s12;
	s14 =	sadd.s32 $0x40, s17  }
0x10: {  	s16 =	sadd.s32 $0x80, s17;
	s21 =	sadd.s32 $0xC0, s17;
	s23 =	sadd.s32 $0x100, s17  }
0x11: {  	s5 =	simm.s32 $0x0;
	s10 =	sadd.s32 s3, s13;
	s15 =	sshrl.u32 s14, $0x3  }
0x12: {  	s0 =	sshll.u32 s14, $0x4;
	s18 =	sshrl.u32 s16, $0x3;
	s19 =	sshll.u32 s16, $0x4  }
0x13: {  	s22 =	sshrl.u32 s21, $0x3;
	s24 =	sshll.u32 s21, $0x4;
	s25 =	sshrl.u32 s23, $0x3  }
0x14: {  	s26 =	sshll.u32 s23, $0x4;
	s21 =	simm.s32 $0x2;
	s23 =	simm.s32 $0x4F00  }
0x15: {  	s13 =	sadd.s32 s3, s15;
	s14 =	sadd.s32 s20, s0;
	s15 =	sadd.s32 s3, s18  }
0x16: {  	s16 =	sadd.s32 s20, s19;
	s17 =	sadd.s32 s3, s22;
	s18 =	sadd.s32 s20, s24  }
0x17: {  	s19 =	sadd.s32 s3, s25;
	s20 =	sadd.s32 s20, s26;
	s22 =	simm.s32 $0x2780  }
0x18: {  	s24 =	simm.s32 $0x7680;
	s25 =	simm.s32 $0x9E00;
	s26 =	simm.s32 $0xC580  }
.LBB2_1:
0x19: {  	s0 =	rddreg [dreg:$0x0]  }
0x1a: {  	[tilespmem:s6], [sflag:$0x2] =	stream.linear.gather [hbm4b:s0+s6], $0x2780, $0x38;
	[tilespmem:$0x10D80] =	vst v63  }
0x1b: {  	_ =	swait.ge [sflag:s21], $0x2780  }
0x1c: {  	[sflag:s21] =	ssyncset.done $0x0  }
0x1d: {  	[sflag:s21] =	ssyncadd.s32 $0xFFFFD880  }
0x1e: {  	s3 =	rddreg [dreg:$0x1]  }
0x1f: {  	[tilespmem:s22], [sflag:$0x2] =	stream.linear.gather [hbm4b:s3+s6], $0x2780, $0x38;
	[tilespmem:$0x10D80] =	vst v63  }
0x20: {  	_ =	swait.ge [sflag:s21], $0x2780  }
0x21: {  	[sflag:s21] =	ssyncset.done $0x0  }
0x22: {  	[sflag:s21] =	ssyncadd.s32 $0xFFFFD880  }
0x23: {  	[tilespmem:s23], [sflag:$0x2] =	stream.linear.gather [hbm4b:s2+s6], $0x2780, $0x38;
	[tilespmem:$0x10D80] =	vst v63  }
0x24: {  	_ =	swait.ge [sflag:s21], $0x2780  }
0x25: {  	[sflag:s21] =	ssyncset.done $0x0  }
0x26: {  	[sflag:s21] =	ssyncadd.s32 $0xFFFFD880  }
0x27: {  	[tilespmem:s24], [sflag:$0x2] =	stream.linear.gather [hbm4b:s7+s6], $0x2710, $0x38;
	[tilespmem:$0x10D80] =	vst v63  }
0x28: {  	_ =	swait.ge [sflag:s21], $0x2710  }
0x29: {  	[sflag:s21] =	ssyncset.done $0x0  }
0x2a: {  	[sflag:s21] =	ssyncadd.s32 $0xFFFFD8F0  }
0x2b: {  	[tilespmem:s25], [sflag:$0x2] =	stream.linear.gather [hbm4b:s8+s6], $0x2710, $0x38;
	[tilespmem:$0x10D80] =	vst v63  }
0x2c: {  	_ =	swait.ge [sflag:s21], $0x2710  }
0x2d: {  	[sflag:s21] =	ssyncset.done $0x0  }
0x2e: {  	s3 =	simm.s32 $0x0;
	[sflag:s21] =	ssyncadd.s32 $0xFFFFD8F0  }
0x2f: {  	v0 =	vld [tilespmem:s3+$0x9E00]  }
0x30: {  	v1 =	vld [tilespmem:s3+$0x7680];
	_ =	sdelay $0x6  }
0x31: {  	v2 =	vld.idx.msk [tilespmem:v0+s6+$0x0], $0xffff  }
0x32: {  	v3 =	vld.idx.msk [tilespmem:v1+s6+$0x0], $0xffff  }
0x33: {  	v4 =	vld.idx.msk [tilespmem:v1+s22+$0x0], $0xffff  }
0x34: {  	v5 =	vld.idx.msk [tilespmem:v0+s22+$0x0], $0xffff  }
0x35: {  	v6 =	vld.idx.msk [tilespmem:v1+s23+$0x0], $0xffff  }
0x36: {  	v7 =	vld.idx.msk [tilespmem:v0+s23+$0x0], $0xffff;
	_ =	sdelay $0x2  }
0x37: {  	s0 =	simm.s32 $0x10;
	v3 =	vsub.f32 v3, v2;
	v4 =	vsub.f32 v4, v5  }
0x38: {  	v0 =	vld [tilespmem:s0+$0x9E00]  }
0x39: {  	v1 =	vld [tilespmem:s0+$0x7680];
	v2 =	vsub.f32 v6, v7;
	v3 =	vmul.f32 v3, v3;
	v4 =	vmul.f32 v4, v4  }
0x3a: {  	s1 =	simm.s32 $0x80  }
.LBB2_2:
0x3b: {  	p0 =	sne.s32 s1, $0x9C00;
	v3 =	vadd.f32 v4, v3;
	v2 =	vmul.f32 v2, v2;
	_ =	sdelay $0x1  }
0x3c: {  	v2 =	vadd.f32 v2, v3;
	_ =	sdelay $0x1  }
0x3d: {  	[tilespmem:s3+$0xC580] =	vst v2;
	s3 =	smov.u32 s0  }
0x3e: {  	v2 =	vld.idx.msk [tilespmem:v0+s6+$0x0], $0xffff  }
0x3f: {  	v3 =	vld.idx.msk [tilespmem:v1+s6+$0x0], $0xffff  }
0x40: {  	v4 =	vld.idx.msk [tilespmem:v1+s22+$0x0], $0xffff  }
0x41: {  	v5 =	vld.idx.msk [tilespmem:v0+s22+$0x0], $0xffff  }
0x42: {  	v6 =	vld.idx.msk [tilespmem:v1+s23+$0x0], $0xffff  }
0x43: {  	v7 =	vld.idx.msk [tilespmem:v0+s23+$0x0], $0xffff;
	_ =	sdelay $0x2  }
.Ltmp0:
0x44: {  	(pc) =	sbr.rel @p0 .LBB2_2-.Ltmp0, $4  }
0x45: {  	s0 =	sshra.s32 s1, $0x2;
	v3 =	vsub.f32 v3, v2;
	v4 =	vsub.f32 v4, v5  }
0x46: {  	v0 =	vld [tilespmem:s0+$0x9E00]  }
0x47: {  	v3 =	vmul.f32 v3, v3;
	v2 =	vsub.f32 v6, v7;
	v4 =	vmul.f32 v4, v4;
	v1 =	vld [tilespmem:s0+$0x7680]  }
0x48: {  	s1 =	sadd.s32 $0x40, s1  }
0x49: {  	_ = 	snop  }
0x4a: {  	v3 =	vadd.f32 v4, v3;
	v2 =	vmul.f32 v2, v2;
	_ =	sdelay $0x1  }
0x4b: {  	v2 =	vadd.f32 v2, v3;
	_ =	sdelay $0x1  }
0x4c: {  	[tilespmem:s3+$0xC580] =	vst v2  }
0x4d: {  	v2 =	vld.idx.msk [tilespmem:v0+s6+$0x0], $0xffff  }
0x4e: {  	v57 =	vld.idx.msk [tilespmem:v1+s6+$0x0], $0xffff  }
0x4f: {  	v58 =	vld.idx.msk [tilespmem:v1+s22+$0x0], $0xffff  }
0x50: {  	v5 =	vld.idx.msk [tilespmem:v0+s22+$0x0], $0xffff  }
0x51: {  	v59 =	vld.idx.msk [tilespmem:v1+s23+$0x0], $0xffff  }
0x52: {  	v60 =	vld.idx.msk [tilespmem:v0+s23+$0x0], $0xffff;
	_ =	sdelay $0x2  }
0x53: {  	v2 =	vsub.f32 v57, v2;
	v61 =	vsub.f32 v58, v5;
	_ =	sdelay $0x1  }
0x54: {  	v0 =	vsub.f32 v59, v60;
	v62 =	vmul.f32 v2, v2;
	v63 =	vmul.f32 v61, v61;
	_ =	sdelay $0x1  }
0x55: {  	v0 =	vmul.f32 v0, v0;
	v1 =	vadd.f32 v63, v62;
	_ =	sdelay $0x1  }
0x56: {  	v0 =	vadd.f32 v0, v1;
	_ =	sdelay $0x1  }
0x57: {  	[tilespmem:s0+$0xC580] =	vst v0  }
0x58: {  	[hbm4b:s9+s6] =	stream.linear.scatter [tilespmem:s26], [sflag:$0x2], $0x2710, $0x38;
	[tilespmem:$0x10D80] =	vst v63  }
0x59: {  	_ =	swait.ge [sflag:s21], $0x2710  }
0x5a: {  	[sflag:s21] =	ssyncset.done $0x0  }
0x5b: {  	[sflag:s21] =	ssyncadd.s32 $0xFFFFD8F0  }
0x5c: {  	[tilespmem:s28], [sflag:$0x2] =	stream.linear.gather [hbm4b:s10+s6], $0x40, $0x38;
	[tilespmem:$0x10D80] =	vst v63  }
0x5d: {  	_ =	swait.ge [sflag:s21], $0x40  }
0x5e: {  	[sflag:s21] =	ssyncset.done $0x0  }
0x5f: {  	[sflag:s21] =	ssyncadd.s32 $0xFFFFFFC0  }
0x60: {  	[tilespmem:s30], [sflag:$0x1] =	stream.indirect.gather [hbm4b:s4+s29], $0x80, s28, s29, $0xb8;
	[tilespmem:$0x10D80] =	vst v63  }
0x61: {  	_ =	swait.ge [sflag:s31], $0x2000  }
0x62: {  	[sflag:s31] =	ssyncset.done $0x0  }
0x63: {  	[sflag:s31] =	ssyncadd.s32 $0xFFFFE000  }
0x64: {  	[hbm4b:s12+s6] =	stream.linear.scatter [tilespmem:s30], [sflag:$0x2], $0x2000, $0x38;
	[tilespmem:$0x10D80] =	vst v63  }
0x65: {  	_ =	swait.ge [sflag:s21], $0x2000  }
0x66: {  	[sflag:s21] =	ssyncset.done $0x0  }
0x67: {  	[sflag:s21] =	ssyncadd.s32 $0xFFFFE000  }
0x68: {  	[tilespmem:s28], [sflag:$0x2] =	stream.linear.gather [hbm4b:s13+s6], $0x40, $0x38;
	[tilespmem:$0x10D80] =	vst v63  }
0x69: {  	_ =	swait.ge [sflag:s21], $0x40  }
0x6a: {  	[sflag:s21] =	ssyncset.done $0x0  }
0x6b: {  	[sflag:s21] =	ssyncadd.s32 $0xFFFFFFC0  }
0x6c: {  	[tilespmem:s30], [sflag:$0x1] =	stream.indirect.gather [hbm4b:s4+s29], $0x80, s28, s29, $0xb8;
	[tilespmem:$0x10D80] =	vst v63  }
0x6d: {  	_ =	swait.ge [sflag:s31], $0x2000  }
0x6e: {  	[sflag:s31] =	ssyncset.done $0x0  }
0x6f: {  	[sflag:s31] =	ssyncadd.s32 $0xFFFFE000  }
0x70: {  	[hbm4b:s14+s6] =	stream.linear.scatter [tilespmem:s30], [sflag:$0x2], $0x2000, $0x38;
	[tilespmem:$0x10D80] =	vst v63  }
0x71: {  	_ =	swait.ge [sflag:s21], $0x2000  }
0x72: {  	[sflag:s21] =	ssyncset.done $0x0  }
0x73: {  	[sflag:s21] =	ssyncadd.s32 $0xFFFFE000  }
0x74: {  	[tilespmem:s28], [sflag:$0x2] =	stream.linear.gather [hbm4b:s15+s6], $0x40, $0x38;
	[tilespmem:$0x10D80] =	vst v63  }
0x75: {  	_ =	swait.ge [sflag:s21], $0x40  }
0x76: {  	[sflag:s21] =	ssyncset.done $0x0  }
0x77: {  	[sflag:s21] =	ssyncadd.s32 $0xFFFFFFC0  }
0x78: {  	[tilespmem:s30], [sflag:$0x1] =	stream.indirect.gather [hbm4b:s4+s29], $0x80, s28, s29, $0xb8;
	[tilespmem:$0x10D80] =	vst v63  }
0x79: {  	_ =	swait.ge [sflag:s31], $0x2000  }
0x7a: {  	[sflag:s31] =	ssyncset.done $0x0  }
0x7b: {  	[sflag:s31] =	ssyncadd.s32 $0xFFFFE000  }
0x7c: {  	[hbm4b:s16+s6] =	stream.linear.scatter [tilespmem:s30], [sflag:$0x2], $0x2000, $0x38;
	[tilespmem:$0x10D80] =	vst v63  }
0x7d: {  	_ =	swait.ge [sflag:s21], $0x2000  }
0x7e: {  	[sflag:s21] =	ssyncset.done $0x0  }
0x7f: {  	[sflag:s21] =	ssyncadd.s32 $0xFFFFE000  }
0x80: {  	[tilespmem:s28], [sflag:$0x2] =	stream.linear.gather [hbm4b:s17+s6], $0x40, $0x38;
	[tilespmem:$0x10D80] =	vst v63  }
0x81: {  	_ =	swait.ge [sflag:s21], $0x40  }
0x82: {  	[sflag:s21] =	ssyncset.done $0x0  }
0x83: {  	[sflag:s21] =	ssyncadd.s32 $0xFFFFFFC0  }
0x84: {  	[tilespmem:s30], [sflag:$0x1] =	stream.indirect.gather [hbm4b:s4+s29], $0x80, s28, s29, $0xb8;
	[tilespmem:$0x10D80] =	vst v63  }
0x85: {  	_ =	swait.ge [sflag:s31], $0x2000  }
0x86: {  	[sflag:s31] =	ssyncset.done $0x0  }
0x87: {  	[sflag:s31] =	ssyncadd.s32 $0xFFFFE000  }
0x88: {  	[hbm4b:s18+s6] =	stream.linear.scatter [tilespmem:s30], [sflag:$0x2], $0x2000, $0x38;
	[tilespmem:$0x10D80] =	vst v63  }
0x89: {  	_ =	swait.ge [sflag:s21], $0x2000  }
0x8a: {  	[sflag:s21] =	ssyncset.done $0x0  }
0x8b: {  	[sflag:s21] =	ssyncadd.s32 $0xFFFFE000  }
0x8c: {  	[tilespmem:s28], [sflag:$0x2] =	stream.linear.gather [hbm4b:s19+s6], $0x40, $0x38;
	[tilespmem:$0x10D80] =	vst v63  }
0x8d: {  	_ =	swait.ge [sflag:s21], $0x40  }
0x8e: {  	[sflag:s21] =	ssyncset.done $0x0  }
0x8f: {  	[sflag:s21] =	ssyncadd.s32 $0xFFFFFFC0  }
0x90: {  	[tilespmem:s30], [sflag:$0x1] =	stream.indirect.gather [hbm4b:s4+s29], $0x80, s28, s29, $0xb8;
	[tilespmem:$0x10D80] =	vst v63  }
0x91: {  	s5 =	sadd.s32 $0x1, s5;
	_ =	swait.ge [sflag:s31], $0x2000  }
0x92: {  	p0 =	sne.s32 s5, s11;
	[sflag:s31] =	ssyncset.done $0x0  }
.Ltmp1:
0x93: {  	[sflag:s31] =	ssyncadd.s32 $0xFFFFE000;
	(pc) =	sbr.rel @p0 .LBB2_1-.Ltmp1, $4  }
0x94: {  	[hbm4b:s20+s6] =	stream.linear.scatter [tilespmem:s30], [sflag:$0x2], $0x2000, $0x38;
	[tilespmem:$0x10D80] =	vst v63  }
0x95: {  	_ =	swait.ge [sflag:s21], $0x2000  }
0x96: {  	[sflag:s21] =	ssyncset.done $0x0  }
0x97: {  	[sflag:s21] =	ssyncadd.s32 $0xFFFFE000  }
0x98: {  	_ =	sfence.sel $0x180000  }
0x99: {  	[bflag:$0x0] =	sbarrier.arrive $0xFFFF  }
0x9a: {  	_ =	strace $0x90000047  }
0x9b: {  	s0 =	stileid.u32;
	[bflag:$0x2] =	sbarrier.arrive $0xFFFF  }
0x9c: {  	p0 =	sne.s32 s0, $0x0;
	s0 =	rddreg [dreg:$0x9]  }
0x9d: {  	s0 =	sadd.s32 @!p0 $0x100000, s0  }
0x9e: {  	[sflag:s0] =	ssyncadd.tile.s32 @!p0 $0x1;
	_ =	shalt  }
.Lfunc_end2:
_tile_overlayer_lowered:
.L_overlay_start_2:
0x9f: {  	(tag) =	ssettag $0x2  }
0xa0: {  	s0 =	rddreg [dreg:$0x0];
	s2 =	stileid.u32  }
0xa1: {  	s1 =	rddreg [dreg:$0x1];
	p0 =	sne.s32 s2, $0x0  }
0xa2: {  	s3 =	rddreg [dreg:$0x2];
	[bflag:$0x3] =	sbarrier.arrive $0xFFFF;
	s2 =	simm.s32 @!p0 $0x1C02  }
0xa3: {  	[timem:s3], [sflag:s2] =	dma.local @!p0 [hbm:s0], s1  }
0xa4: {  	s0 =	simm.s32 @!p0 $0x2  }
0xa5: {  	_ =	swait.ge @!p0 [sflag:s0], s1  }
0xa6: {  	s1 =	ssub.s32 @!p0 $0x0, s1;
	[sflag:s0] =	ssyncset.done @!p0 $0x0  }
0xa7: {  	[sflag:s0] =	ssyncadd.s32 @!p0 s1  }
0xa8: {  	[bflag:$0x3] =	sbarrier.arrive $0xFFFF  }
0xa9: {  	_ =	shalt  }

</sc_bundles>
